<compile_context>
chip_gen: v7x
topology: tpu7x:2x2x1
jax: 0.10.2.dev20260603
libtpu: 0.0.44.dev20260713+nightly
codegen_flags: <defaults>
</compile_context>

<pallas_src>
import functools

import jax
from jax import lax
import jax.numpy as jnp
from jax.experimental import pallas as pl
from jax.experimental.pallas import tpu as pltpu
from jax.experimental.pallas import tpu_sc as plsc

_NUM_ROWS = 1000
_E = 64
_D = _E * _E
_B = 16384
_NC = 2
_NS = 16
_NW = _NC * _NS
_BPW = _B // _NW
_C = 8
_NCHUNK = _BPW // _C
_NBUF = 3
_GAHEAD = 1


def kernel(indices, weight):
    flat = weight.reshape(_NUM_ROWS, _D)
    idx = indices.astype(jnp.int32)
    mesh = plsc.VectorSubcoreMesh(
        core_axis_name="core", subcore_axis_name="subcore", num_cores=2
    )

    scratch = (
        [pltpu.VMEM((_BPW,), jnp.int32)]
        + [pltpu.VMEM((_C, _D), jnp.float32) for _ in range(_NBUF)]
        + [pltpu.SemaphoreType.DMA for _ in range(2 * _NBUF)]
    )

    @functools.partial(
        pl.kernel,
        out_type=jax.ShapeDtypeStruct((_B, _D), jnp.float32),
        mesh=mesh,
        scratch_types=scratch,
    )
    def gather_kernel(x_hbm, i_hbm, o_hbm, idx_v, *rest):
        bufs = rest[:_NBUF]
        gsems = rest[_NBUF:2 * _NBUF]
        ssems = rest[2 * _NBUF:]

        x2 = x_hbm
        o2 = o_hbm

        wid = lax.axis_index("subcore") * _NC + lax.axis_index("core")
        base = wid * _BPW
        pltpu.sync_copy(i_hbm.at[pl.ds(base, _BPW)], idx_v)

        def gather_copy(g, j):
            return pltpu.make_async_copy(
                x2.at[idx_v.at[pl.ds(g * _C, _C)]], bufs[j], gsems[j]
            )

        def store_copy(g, j):
            return pltpu.make_async_copy(
                bufs[j], o2.at[pl.ds(base + g * _C, _C)], ssems[j]
            )

        for g in range(_GAHEAD):
            gather_copy(g, g).start()

        @pl.loop(0, _NCHUNK + (-_NCHUNK) % _NBUF, step=_NBUF)
        def _(g0):
            for b in range(_NBUF):
                g = g0 + b
                jn = (b + _GAHEAD) % _NBUF

                @pl.when(g < _NCHUNK)
                def _():
                    @pl.when(g + _GAHEAD < _NCHUNK)
                    def _():
                        @pl.when(g >= _NBUF - _GAHEAD)
                        def _():
                            store_copy(g - (_NBUF - _GAHEAD), jn).wait()

                        gather_copy(g + _GAHEAD, jn).start()

                    gather_copy(g, b).wait()
                    store_copy(g, b).start()

        for g in range(_NCHUNK - _NBUF, _NCHUNK):
            store_copy(g, g % _NBUF).wait()

    return gather_kernel(flat, idx).reshape(_B, _E, _E)

# --- scband reference (transcript-rebuilt; emitter-appended) ---
"""Pipeline reference for scband-relation-embedding-9646496547190 (READ-ONLY COPY).

The authoritative reference and input builder live on the scoring server;
editing this copy changes nothing except your own understanding.
"""

import jax, jax.numpy as jnp
import numpy as np
import math

NUM_RELATIONS = 1000
EMBED_DIM = 64
BATCH = 16384

def setup_inputs(seed: int = 0) -> dict:
    key = jax.random.key(seed)
    k_idx, k_w = jax.random.split(key)
    indices = jax.random.randint(k_idx, (BATCH,), 0, NUM_RELATIONS, dtype=jnp.int64 if jax.config.jax_enable_x64 else jnp.int32)
    bound = 1.0 * math.sqrt(6.0 / (2 * EMBED_DIM))
    weight = jax.random.uniform(k_w, (NUM_RELATIONS, EMBED_DIM, EMBED_DIM), dtype=jnp.float32, minval=-bound, maxval=bound)
    return {"indices": indices, "weight": weight}

def reference(indices, weight):
    # nn.functional.embedding on flattened table, then reshape back to [B, d, d]
    flat = weight.reshape(NUM_RELATIONS, -1)
    gathered = jnp.take(flat, indices, axis=0)
    return gathered.reshape(indices.shape[0], EMBED_DIM, EMBED_DIM)

if __name__ == "__main__":
    import jax
    _d = setup_inputs()
    print(jax.jit(kernel)(*tuple(_d.values())))

</pallas_src>

<mosaic_0001>
#map = affine_map<(d0, d1) -> (0, 0)>
#map1 = affine_map<(d0, d1) -> (0)>
module attributes {stable_mosaic.version = 14 : i64} {
  func.func @gather_kernel(%arg0: i32, %arg1: i32, %arg2: memref<1000x4096xf32, #tpu.memory_space<hbm>>, %arg3: memref<16384xi32, #tpu.memory_space<hbm>>, %arg4: memref<16384x4096xf32, #tpu.memory_space<hbm>>, %arg5: memref<512xi32, #tpu.memory_space<vmem>>, %arg6: memref<8x4096xf32, #tpu.memory_space<vmem>>, %arg7: memref<8x4096xf32, #tpu.memory_space<vmem>>, %arg8: memref<8x4096xf32, #tpu.memory_space<vmem>>, %arg9: memref<!tpu.dma_semaphore, #tpu.memory_space<semaphore_mem>>, %arg10: memref<!tpu.dma_semaphore, #tpu.memory_space<semaphore_mem>>, %arg11: memref<!tpu.dma_semaphore, #tpu.memory_space<semaphore_mem>>, %arg12: memref<!tpu.dma_semaphore, #tpu.memory_space<semaphore_mem>>, %arg13: memref<!tpu.dma_semaphore, #tpu.memory_space<semaphore_mem>>, %arg14: memref<!tpu.dma_semaphore, #tpu.memory_space<semaphore_mem>>) attributes {dimension_semantics = [#tpu.dimension_semantics<core_parallel>, #tpu.dimension_semantics<subcore_parallel>], iteration_bounds = array<i64: 2, 16>, scalar_prefetch = 0 : i64, scratch_operands = 10 : i64, tpu.core_type = #tpu.core_type<sc_vector_subcore>, window_params = [{transform_indices = #map}, {transform_indices = #map1}, {transform_indices = #map}]} {
    %mul3A = arith.constant 2 : i32
    %mul3A_0 = arith.muli %arg1, %mul3A : i32
    %add3A = arith.addi %mul3A_0, %arg0 : i32
    %mul3A_1 = arith.constant 512 : i32
    %mul3A_2 = arith.muli %add3A, %mul3A_1 : i32
    "tpu.region"() ({
      %run_scoped3A = tpu.sem_alloc : memref<!tpu.dma_semaphore, #tpu.memory_space<semaphore_mem>>
      %dma_start3A_28 = tpu.memref_slice %arg3[%mul3A_2] : memref<16384xi32, #tpu.memory_space<hbm>> -> memref<512xi32, #tpu.memory_space<hbm>>
      %dma_start3A_29 = tpu.memref_slice %arg3[%mul3A_2] : memref<16384xi32, #tpu.memory_space<hbm>> -> memref<512xi32, #tpu.memory_space<hbm>>
      tpu.enqueue_dma source(%dma_start3A_29 : memref<512xi32, #tpu.memory_space<hbm>>) target(%arg5 : memref<512xi32, #tpu.memory_space<vmem>>) target_semaphore(%run_scoped3A : memref<!tpu.dma_semaphore, #tpu.memory_space<semaphore_mem>>)
      %dma_wait3A_30 = tpu.memref_slice %arg3[%mul3A_2] : memref<16384xi32, #tpu.memory_space<hbm>> -> memref<512xi32, #tpu.memory_space<hbm>>
      %dma_wait3A_31 = tpu.memref_slice %arg3[%mul3A_2] : memref<16384xi32, #tpu.memory_space<hbm>> -> memref<512xi32, #tpu.memory_space<hbm>>
      tpu.wait_dma2 semaphore(%run_scoped3A : memref<!tpu.dma_semaphore, #tpu.memory_space<semaphore_mem>>) src(%dma_wait3A_31 : memref<512xi32, #tpu.memory_space<hbm>>) dst(%arg5 : memref<512xi32, #tpu.memory_space<vmem>>)
      tpu.yield
    }) : () -> ()
    %dma_start3A = arith.constant 0 : i32
    %dma_start3A_3 = tpu.memref_slice %arg5[%dma_start3A] : memref<512xi32, #tpu.memory_space<vmem>> -> memref<8xi32, #tpu.memory_space<vmem>>
    %dma_start3A_4 = arith.constant 0 : i32
    %dma_start3A_5 = arith.constant 0 : i32
    %dma_start3A_6 = tpu.memref_slice %arg2[%dma_start3A_4, %dma_start3A_5] : memref<1000x4096xf32, #tpu.memory_space<hbm>> -> memref<1000x4096xf32, #tpu.memory_space<hbm>>
    tpu.enqueue_indirect_dma source(%dma_start3A_6 : memref<1000x4096xf32, #tpu.memory_space<hbm>>) target(%arg6 : memref<8x4096xf32, #tpu.memory_space<vmem>>) offsets(%dma_start3A_3 : memref<8xi32, #tpu.memory_space<vmem>>) semaphore(%arg9 : memref<!tpu.dma_semaphore, #tpu.memory_space<semaphore_mem>>)
    %scan3A = arith.constant 0 : i32
    %scan3A_7 = arith.constant 22 : i32
    %scan3A_8 = arith.addi %scan3A, %scan3A_7 : i32
    %scan3A_9 = arith.constant 1 : i32
    scf.for %scan3A_28 = %scan3A to %scan3A_8 step %scan3A_9  : i32 {
      %mul3A_29 = arith.constant 3 : i32
      %mul3A_30 = arith.muli %scan3A_28, %mul3A_29 : i32
      %add3A_31 = arith.constant 0 : i32
      %add3A_32 = arith.addi %add3A_31, %mul3A_30 : i32
      %add3A_33 = arith.constant 0 : i32
      %add3A_34 = arith.addi %add3A_32, %add3A_33 : i32
      %lt3A = arith.constant 64 : i32
      %lt3A_35 = arith.cmpi slt, %add3A_34, %lt3A : i32
      %convert_element_type3A = arith.extui %lt3A_35 : i1 to i32
      %cond3A = arith.constant 0 : i32
      %cond3A_36 = arith.cmpi ne, %convert_element_type3A, %cond3A : i32
      scf.if %cond3A_36 {
        %add3A_51 = arith.constant 1 : i32
        %add3A_52 = arith.addi %add3A_34, %add3A_51 : i32
        %lt3A_53 = arith.constant 64 : i32
        %lt3A_54 = arith.cmpi slt, %add3A_52, %lt3A_53 : i32
        %convert_element_type3A_55 = arith.extui %lt3A_54 : i1 to i32
        %cond3A_56 = arith.constant 0 : i32
        %cond3A_57 = arith.cmpi ne, %convert_element_type3A_55, %cond3A_56 : i32
        scf.if %cond3A_57 {
          %ge3A = arith.constant 2 : i32
          %ge3A_71 = arith.cmpi sge, %add3A_34, %ge3A : i32
          %convert_element_type3A_72 = arith.extui %ge3A_71 : i1 to i32
          %cond3A_73 = arith.constant 0 : i32
          %cond3A_74 = arith.cmpi ne, %convert_element_type3A_72, %cond3A_73 : i32
          scf.if %cond3A_74 {
            %sub3A = arith.constant 2 : i32
            %sub3A_83 = arith.subi %add3A_34, %sub3A : i32
            %mul3A_84 = arith.constant 8 : i32
            %mul3A_85 = arith.muli %sub3A_83, %mul3A_84 : i32
            %add3A_86 = arith.addi %mul3A_2, %mul3A_85 : i32
            %dma_wait3A_87 = arith.constant 0 : i32
            %dma_wait3A_88 = tpu.memref_slice %arg4[%add3A_86, %dma_wait3A_87] : memref<16384x4096xf32, #tpu.memory_space<hbm>> -> memref<8x4096xf32, #tpu.memory_space<hbm>>
            %dma_wait3A_89 = arith.constant 0 : i32
            %dma_wait3A_90 = tpu.memref_slice %arg4[%add3A_86, %dma_wait3A_89] : memref<16384x4096xf32, #tpu.memory_space<hbm>> -> memref<8x4096xf32, #tpu.memory_space<hbm>>
            tpu.wait_dma2 semaphore(%arg13 : memref<!tpu.dma_semaphore, #tpu.memory_space<semaphore_mem>>) src(%arg7 : memref<8x4096xf32, #tpu.memory_space<vmem>>) dst(%dma_wait3A_90 : memref<8x4096xf32, #tpu.memory_space<hbm>>)
          } else {
          }
          %add3A_75 = arith.constant 1 : i32
          %add3A_76 = arith.addi %add3A_34, %add3A_75 : i32
          %mul3A_77 = arith.constant 8 : i32
          %mul3A_78 = arith.muli %add3A_76, %mul3A_77 : i32
          %dma_start3A_79 = tpu.memref_slice %arg5[%mul3A_78] : memref<512xi32, #tpu.memory_space<vmem>> -> memref<8xi32, #tpu.memory_space<vmem>>
          %dma_start3A_80 = arith.constant 0 : i32
          %dma_start3A_81 = arith.constant 0 : i32
          %dma_start3A_82 = tpu.memref_slice %arg2[%dma_start3A_80, %dma_start3A_81] : memref<1000x4096xf32, #tpu.memory_space<hbm>> -> memref<1000x4096xf32, #tpu.memory_space<hbm>>
          tpu.enqueue_indirect_dma source(%dma_start3A_82 : memref<1000x4096xf32, #tpu.memory_space<hbm>>) target(%arg7 : memref<8x4096xf32, #tpu.memory_space<vmem>>) offsets(%dma_start3A_79 : memref<8xi32, #tpu.memory_space<vmem>>) semaphore(%arg10 : memref<!tpu.dma_semaphore, #tpu.memory_space<semaphore_mem>>)
        } else {
        }
        %mul3A_58 = arith.constant 8 : i32
        %mul3A_59 = arith.muli %add3A_34, %mul3A_58 : i32
        %dma_wait3A_60 = tpu.memref_slice %arg5[%mul3A_59] : memref<512xi32, #tpu.memory_space<vmem>> -> memref<8xi32, #tpu.memory_space<vmem>>
        %dma_wait3A_61 = arith.constant 0 : i32
        %dma_wait3A_62 = arith.constant 0 : i32
        %dma_wait3A_63 = tpu.memref_slice %arg2[%dma_wait3A_61, %dma_wait3A_62] : memref<1000x4096xf32, #tpu.memory_space<hbm>> -> memref<1000x4096xf32, #tpu.memory_space<hbm>>
        tpu.wait_indirect_dma semaphore(%arg9 : memref<!tpu.dma_semaphore, #tpu.memory_space<semaphore_mem>>) src(%dma_wait3A_63 : memref<1000x4096xf32, #tpu.memory_space<hbm>>) dst(%arg6 : memref<8x4096xf32, #tpu.memory_space<vmem>>)
        %mul3A_64 = arith.constant 8 : i32
        %mul3A_65 = arith.muli %add3A_34, %mul3A_64 : i32
        %add3A_66 = arith.addi %mul3A_2, %mul3A_65 : i32
        %dma_start3A_67 = arith.constant 0 : i32
        %dma_start3A_68 = tpu.memref_slice %arg4[%add3A_66, %dma_start3A_67] : memref<16384x4096xf32, #tpu.memory_space<hbm>> -> memref<8x4096xf32, #tpu.memory_space<hbm>>
        %dma_start3A_69 = arith.constant 0 : i32
        %dma_start3A_70 = tpu.memref_slice %arg4[%add3A_66, %dma_start3A_69] : memref<16384x4096xf32, #tpu.memory_space<hbm>> -> memref<8x4096xf32, #tpu.memory_space<hbm>>
        tpu.enqueue_dma source(%arg6 : memref<8x4096xf32, #tpu.memory_space<vmem>>) target(%dma_start3A_70 : memref<8x4096xf32, #tpu.memory_space<hbm>>) target_semaphore(%arg12 : memref<!tpu.dma_semaphore, #tpu.memory_space<semaphore_mem>>)
      } else {
      }
      %add3A_37 = arith.constant 1 : i32
      %add3A_38 = arith.addi %add3A_32, %add3A_37 : i32
      %lt3A_39 = arith.constant 64 : i32
      %lt3A_40 = arith.cmpi slt, %add3A_38, %lt3A_39 : i32
      %convert_element_type3A_41 = arith.extui %lt3A_40 : i1 to i32
      %cond3A_42 = arith.constant 0 : i32
      %cond3A_43 = arith.cmpi ne, %convert_element_type3A_41, %cond3A_42 : i32
      scf.if %cond3A_43 {
        %add3A_51 = arith.constant 1 : i32
        %add3A_52 = arith.addi %add3A_38, %add3A_51 : i32
        %lt3A_53 = arith.constant 64 : i32
        %lt3A_54 = arith.cmpi slt, %add3A_52, %lt3A_53 : i32
        %convert_element_type3A_55 = arith.extui %lt3A_54 : i1 to i32
        %cond3A_56 = arith.constant 0 : i32
        %cond3A_57 = arith.cmpi ne, %convert_element_type3A_55, %cond3A_56 : i32
        scf.if %cond3A_57 {
          %ge3A = arith.constant 2 : i32
          %ge3A_71 = arith.cmpi sge, %add3A_38, %ge3A : i32
          %convert_element_type3A_72 = arith.extui %ge3A_71 : i1 to i32
          %cond3A_73 = arith.constant 0 : i32
          %cond3A_74 = arith.cmpi ne, %convert_element_type3A_72, %cond3A_73 : i32
          scf.if %cond3A_74 {
            %sub3A = arith.constant 2 : i32
            %sub3A_83 = arith.subi %add3A_38, %sub3A : i32
            %mul3A_84 = arith.constant 8 : i32
            %mul3A_85 = arith.muli %sub3A_83, %mul3A_84 : i32
            %add3A_86 = arith.addi %mul3A_2, %mul3A_85 : i32
            %dma_wait3A_87 = arith.constant 0 : i32
            %dma_wait3A_88 = tpu.memref_slice %arg4[%add3A_86, %dma_wait3A_87] : memref<16384x4096xf32, #tpu.memory_space<hbm>> -> memref<8x4096xf32, #tpu.memory_space<hbm>>
            %dma_wait3A_89 = arith.constant 0 : i32
            %dma_wait3A_90 = tpu.memref_slice %arg4[%add3A_86, %dma_wait3A_89] : memref<16384x4096xf32, #tpu.memory_space<hbm>> -> memref<8x4096xf32, #tpu.memory_space<hbm>>
            tpu.wait_dma2 semaphore(%arg14 : memref<!tpu.dma_semaphore, #tpu.memory_space<semaphore_mem>>) src(%arg8 : memref<8x4096xf32, #tpu.memory_space<vmem>>) dst(%dma_wait3A_90 : memref<8x4096xf32, #tpu.memory_space<hbm>>)
          } else {
          }
          %add3A_75 = arith.constant 1 : i32
          %add3A_76 = arith.addi %add3A_38, %add3A_75 : i32
          %mul3A_77 = arith.constant 8 : i32
          %mul3A_78 = arith.muli %add3A_76, %mul3A_77 : i32
          %dma_start3A_79 = tpu.memref_slice %arg5[%mul3A_78] : memref<512xi32, #tpu.memory_space<vmem>> -> memref<8xi32, #tpu.memory_space<vmem>>
          %dma_start3A_80 = arith.constant 0 : i32
          %dma_start3A_81 = arith.constant 0 : i32
          %dma_start3A_82 = tpu.memref_slice %arg2[%dma_start3A_80, %dma_start3A_81] : memref<1000x4096xf32, #tpu.memory_space<hbm>> -> memref<1000x4096xf32, #tpu.memory_space<hbm>>
          tpu.enqueue_indirect_dma source(%dma_start3A_82 : memref<1000x4096xf32, #tpu.memory_space<hbm>>) target(%arg8 : memref<8x4096xf32, #tpu.memory_space<vmem>>) offsets(%dma_start3A_79 : memref<8xi32, #tpu.memory_space<vmem>>) semaphore(%arg11 : memref<!tpu.dma_semaphore, #tpu.memory_space<semaphore_mem>>)
        } else {
        }
        %mul3A_58 = arith.constant 8 : i32
        %mul3A_59 = arith.muli %add3A_38, %mul3A_58 : i32
        %dma_wait3A_60 = tpu.memref_slice %arg5[%mul3A_59] : memref<512xi32, #tpu.memory_space<vmem>> -> memref<8xi32, #tpu.memory_space<vmem>>
        %dma_wait3A_61 = arith.constant 0 : i32
        %dma_wait3A_62 = arith.constant 0 : i32
        %dma_wait3A_63 = tpu.memref_slice %arg2[%dma_wait3A_61, %dma_wait3A_62] : memref<1000x4096xf32, #tpu.memory_space<hbm>> -> memref<1000x4096xf32, #tpu.memory_space<hbm>>
        tpu.wait_indirect_dma semaphore(%arg10 : memref<!tpu.dma_semaphore, #tpu.memory_space<semaphore_mem>>) src(%dma_wait3A_63 : memref<1000x4096xf32, #tpu.memory_space<hbm>>) dst(%arg7 : memref<8x4096xf32, #tpu.memory_space<vmem>>)
        %mul3A_64 = arith.constant 8 : i32
        %mul3A_65 = arith.muli %add3A_38, %mul3A_64 : i32
        %add3A_66 = arith.addi %mul3A_2, %mul3A_65 : i32
        %dma_start3A_67 = arith.constant 0 : i32
        %dma_start3A_68 = tpu.memref_slice %arg4[%add3A_66, %dma_start3A_67] : memref<16384x4096xf32, #tpu.memory_space<hbm>> -> memref<8x4096xf32, #tpu.memory_space<hbm>>
        %dma_start3A_69 = arith.constant 0 : i32
        %dma_start3A_70 = tpu.memref_slice %arg4[%add3A_66, %dma_start3A_69] : memref<16384x4096xf32, #tpu.memory_space<hbm>> -> memref<8x4096xf32, #tpu.memory_space<hbm>>
        tpu.enqueue_dma source(%arg7 : memref<8x4096xf32, #tpu.memory_space<vmem>>) target(%dma_start3A_70 : memref<8x4096xf32, #tpu.memory_space<hbm>>) target_semaphore(%arg13 : memref<!tpu.dma_semaphore, #tpu.memory_space<semaphore_mem>>)
      } else {
      }
      %add3A_44 = arith.constant 2 : i32
      %add3A_45 = arith.addi %add3A_32, %add3A_44 : i32
      %lt3A_46 = arith.constant 64 : i32
      %lt3A_47 = arith.cmpi slt, %add3A_45, %lt3A_46 : i32
      %convert_element_type3A_48 = arith.extui %lt3A_47 : i1 to i32
      %cond3A_49 = arith.constant 0 : i32
      %cond3A_50 = arith.cmpi ne, %convert_element_type3A_48, %cond3A_49 : i32
      scf.if %cond3A_50 {
        %add3A_51 = arith.constant 1 : i32
        %add3A_52 = arith.addi %add3A_45, %add3A_51 : i32
        %lt3A_53 = arith.constant 64 : i32
        %lt3A_54 = arith.cmpi slt, %add3A_52, %lt3A_53 : i32
        %convert_element_type3A_55 = arith.extui %lt3A_54 : i1 to i32
        %cond3A_56 = arith.constant 0 : i32
        %cond3A_57 = arith.cmpi ne, %convert_element_type3A_55, %cond3A_56 : i32
        scf.if %cond3A_57 {
          %ge3A = arith.constant 2 : i32
          %ge3A_71 = arith.cmpi sge, %add3A_45, %ge3A : i32
          %convert_element_type3A_72 = arith.extui %ge3A_71 : i1 to i32
          %cond3A_73 = arith.constant 0 : i32
          %cond3A_74 = arith.cmpi ne, %convert_element_type3A_72, %cond3A_73 : i32
          scf.if %cond3A_74 {
            %sub3A = arith.constant 2 : i32
            %sub3A_83 = arith.subi %add3A_45, %sub3A : i32
            %mul3A_84 = arith.constant 8 : i32
            %mul3A_85 = arith.muli %sub3A_83, %mul3A_84 : i32
            %add3A_86 = arith.addi %mul3A_2, %mul3A_85 : i32
            %dma_wait3A_87 = arith.constant 0 : i32
            %dma_wait3A_88 = tpu.memref_slice %arg4[%add3A_86, %dma_wait3A_87] : memref<16384x4096xf32, #tpu.memory_space<hbm>> -> memref<8x4096xf32, #tpu.memory_space<hbm>>
            %dma_wait3A_89 = arith.constant 0 : i32
            %dma_wait3A_90 = tpu.memref_slice %arg4[%add3A_86, %dma_wait3A_89] : memref<16384x4096xf32, #tpu.memory_space<hbm>> -> memref<8x4096xf32, #tpu.memory_space<hbm>>
            tpu.wait_dma2 semaphore(%arg12 : memref<!tpu.dma_semaphore, #tpu.memory_space<semaphore_mem>>) src(%arg6 : memref<8x4096xf32, #tpu.memory_space<vmem>>) dst(%dma_wait3A_90 : memref<8x4096xf32, #tpu.memory_space<hbm>>)
          } else {
          }
          %add3A_75 = arith.constant 1 : i32
          %add3A_76 = arith.addi %add3A_45, %add3A_75 : i32
          %mul3A_77 = arith.constant 8 : i32
          %mul3A_78 = arith.muli %add3A_76, %mul3A_77 : i32
          %dma_start3A_79 = tpu.memref_slice %arg5[%mul3A_78] : memref<512xi32, #tpu.memory_space<vmem>> -> memref<8xi32, #tpu.memory_space<vmem>>
          %dma_start3A_80 = arith.constant 0 : i32
          %dma_start3A_81 = arith.constant 0 : i32
          %dma_start3A_82 = tpu.memref_slice %arg2[%dma_start3A_80, %dma_start3A_81] : memref<1000x4096xf32, #tpu.memory_space<hbm>> -> memref<1000x4096xf32, #tpu.memory_space<hbm>>
          tpu.enqueue_indirect_dma source(%dma_start3A_82 : memref<1000x4096xf32, #tpu.memory_space<hbm>>) target(%arg6 : memref<8x4096xf32, #tpu.memory_space<vmem>>) offsets(%dma_start3A_79 : memref<8xi32, #tpu.memory_space<vmem>>) semaphore(%arg9 : memref<!tpu.dma_semaphore, #tpu.memory_space<semaphore_mem>>)
        } else {
        }
        %mul3A_58 = arith.constant 8 : i32
        %mul3A_59 = arith.muli %add3A_45, %mul3A_58 : i32
        %dma_wait3A_60 = tpu.memref_slice %arg5[%mul3A_59] : memref<512xi32, #tpu.memory_space<vmem>> -> memref<8xi32, #tpu.memory_space<vmem>>
        %dma_wait3A_61 = arith.constant 0 : i32
        %dma_wait3A_62 = arith.constant 0 : i32
        %dma_wait3A_63 = tpu.memref_slice %arg2[%dma_wait3A_61, %dma_wait3A_62] : memref<1000x4096xf32, #tpu.memory_space<hbm>> -> memref<1000x4096xf32, #tpu.memory_space<hbm>>
        tpu.wait_indirect_dma semaphore(%arg11 : memref<!tpu.dma_semaphore, #tpu.memory_space<semaphore_mem>>) src(%dma_wait3A_63 : memref<1000x4096xf32, #tpu.memory_space<hbm>>) dst(%arg8 : memref<8x4096xf32, #tpu.memory_space<vmem>>)
        %mul3A_64 = arith.constant 8 : i32
        %mul3A_65 = arith.muli %add3A_45, %mul3A_64 : i32
        %add3A_66 = arith.addi %mul3A_2, %mul3A_65 : i32
        %dma_start3A_67 = arith.constant 0 : i32
        %dma_start3A_68 = tpu.memref_slice %arg4[%add3A_66, %dma_start3A_67] : memref<16384x4096xf32, #tpu.memory_space<hbm>> -> memref<8x4096xf32, #tpu.memory_space<hbm>>
        %dma_start3A_69 = arith.constant 0 : i32
        %dma_start3A_70 = tpu.memref_slice %arg4[%add3A_66, %dma_start3A_69] : memref<16384x4096xf32, #tpu.memory_space<hbm>> -> memref<8x4096xf32, #tpu.memory_space<hbm>>
        tpu.enqueue_dma source(%arg8 : memref<8x4096xf32, #tpu.memory_space<vmem>>) target(%dma_start3A_70 : memref<8x4096xf32, #tpu.memory_space<hbm>>) target_semaphore(%arg14 : memref<!tpu.dma_semaphore, #tpu.memory_space<semaphore_mem>>)
      } else {
      }
    }
    %scan3A_10 = arith.constant 22 : i32
    %add3A_11 = arith.constant 488 : i32
    %add3A_12 = arith.addi %mul3A_2, %add3A_11 : i32
    %dma_wait3A = arith.constant 0 : i32
    %dma_wait3A_13 = tpu.memref_slice %arg4[%add3A_12, %dma_wait3A] : memref<16384x4096xf32, #tpu.memory_space<hbm>> -> memref<8x4096xf32, #tpu.memory_space<hbm>>
    %dma_wait3A_14 = arith.constant 0 : i32
    %dma_wait3A_15 = tpu.memref_slice %arg4[%add3A_12, %dma_wait3A_14] : memref<16384x4096xf32, #tpu.memory_space<hbm>> -> memref<8x4096xf32, #tpu.memory_space<hbm>>
    tpu.wait_dma2 semaphore(%arg13 : memref<!tpu.dma_semaphore, #tpu.memory_space<semaphore_mem>>) src(%arg7 : memref<8x4096xf32, #tpu.memory_space<vmem>>) dst(%dma_wait3A_15 : memref<8x4096xf32, #tpu.memory_space<hbm>>)
    %add3A_16 = arith.constant 496 : i32
    %add3A_17 = arith.addi %mul3A_2, %add3A_16 : i32
    %dma_wait3A_18 = arith.constant 0 : i32
    %dma_wait3A_19 = tpu.memref_slice %arg4[%add3A_17, %dma_wait3A_18] : memref<16384x4096xf32, #tpu.memory_space<hbm>> -> memref<8x4096xf32, #tpu.memory_space<hbm>>
    %dma_wait3A_20 = arith.constant 0 : i32
    %dma_wait3A_21 = tpu.memref_slice %arg4[%add3A_17, %dma_wait3A_20] : memref<16384x4096xf32, #tpu.memory_space<hbm>> -> memref<8x4096xf32, #tpu.memory_space<hbm>>
    tpu.wait_dma2 semaphore(%arg14 : memref<!tpu.dma_semaphore, #tpu.memory_space<semaphore_mem>>) src(%arg8 : memref<8x4096xf32, #tpu.memory_space<vmem>>) dst(%dma_wait3A_21 : memref<8x4096xf32, #tpu.memory_space<hbm>>)
    %add3A_22 = arith.constant 504 : i32
    %add3A_23 = arith.addi %mul3A_2, %add3A_22 : i32
    %dma_wait3A_24 = arith.constant 0 : i32
    %dma_wait3A_25 = tpu.memref_slice %arg4[%add3A_23, %dma_wait3A_24] : memref<16384x4096xf32, #tpu.memory_space<hbm>> -> memref<8x4096xf32, #tpu.memory_space<hbm>>
    %dma_wait3A_26 = arith.constant 0 : i32
    %dma_wait3A_27 = tpu.memref_slice %arg4[%add3A_23, %dma_wait3A_26] : memref<16384x4096xf32, #tpu.memory_space<hbm>> -> memref<8x4096xf32, #tpu.memory_space<hbm>>
    tpu.wait_dma2 semaphore(%arg12 : memref<!tpu.dma_semaphore, #tpu.memory_space<semaphore_mem>>) src(%arg6 : memref<8x4096xf32, #tpu.memory_space<vmem>>) dst(%dma_wait3A_27 : memref<8x4096xf32, #tpu.memory_space<hbm>>)
    return
  }
}

</mosaic_0001>

<sc_bundles>
// kernel: kernel.3.cloned.1.call-start
scs
__scs_entry_jumppad:
0x0: {  	(pc) =	sbr.rel $0x88, $3  }
0x1: {  	(tag) =	ssettag $0x0;
	lr =	simm.s32 $0x1  }
0x2: {  	[smem:$0x3F9F] =	sst lr;
	_ =	strace $0xD0000000  }
0x3: {  	_ = 	snop  }
0x4: {  	_ = 	snop  }
0x5: {  	_ = 	snop  }
0x6: {  	_ = 	snop  }
0x7: {  	_ = 	snop  }
__scs_overlays_trampoline_lowered:
0x8: {  	[smem:$0x3FAE] =	sst s0  }
0x9: {  	[smem:$0x3FAF] =	sst s1  }
0xa: {  	[smem:$0x3FB0] =	sst s2  }
0xb: {  	[smem:$0x3FB1] =	sst s3  }
0xc: {  	[smem:$0x3FB2] =	sst s4  }
0xd: {  	[smem:$0x3FB3] =	sst s5  }
0xe: {  	[smem:$0x3FB4] =	sst s6  }
0xf: {  	[smem:$0x3FB5] =	sst s7  }
0x10: {  	[smem:$0x3FB6] =	sst s8  }
0x11: {  	[smem:$0x3FB7] =	sst s9;
	s0 =	simm.s32 @!p0 $0x0  }
0x12: {  	s1 =	sld [smem:$0x3F9D];
	s0 =	simm.s32 @p0 $0x1  }
0x13: {  	[smem:$0x3FB8] =	sst s0;
	s0 =	simm.s32 @!p1 $0x0  }
0x14: {  	s2 =	sld [smem:$0x3F9C];
	s0 =	simm.s32 @p1 $0x1  }
0x15: {  	[smem:$0x3FB9] =	sst s0;
	s0 =	simm.s32 @!p2 $0x0  }
0x16: {  	s3 =	sld [smem:$0x3FDB];
	s0 =	simm.s32 @p2 $0x1  }
0x17: {  	s4 =	simm.s32 $0x1BF5;
	[smem:$0x3FBB] =	sst s0  }
0x18: {  	s0 =	sld [smem:$0x3F9E];
	_ =	swait.ge [sflag:s4], $0x0  }
0x19: {  	s7 =	sld [smem:$0x3F9F]  }
0x1a: {  	s8 =	sadd.s32 $0xFFFFE003, lr  }
0x1b: {  	s9 =	sadd.s32 $0xFFFFFEF7, lr;
	s5 =	simm.s32 $0xFFFFFFFF;
	p2 =	slt.u32 s8, $0xFFFFF086  }
0x1c: {  	p1 =	slt.u32 s9, $0xF7A;
	s5 =	simm.s32 @!p2 $0x0  }
0x1d: {  	s5 =	simm.s32 @p1 $0x1;
	p0 =	seq.s32 s7, s2  }
0x1e: {  	s7 =	smul.u32 @!p0 $0xF7A, s2;
	p2 =	seq.s32 @!p0 s5, $0x0  }
0x1f: {  	s9 =	smul.u32 $0xF7A, s1;
	s8 =	simm.s32 @!p0 $0x1BF5;
	p2 =	por !p2, p0  }
0x20: {  	[sflag:s8] =	ssyncset.s32 @!p0 $0xFFFFF086;
	s6 =	sadd.s32 @!p0 s3, s7;
	s7 =	simm.s32 @!p0 $0x108  }
0x21: {  	s3 =	sadd.s32 s3, s9;
	s6 =	sadd.s32 @!p0 $0x88, s6;
	s7 =	simm.s32 @p2 $0x1082  }
0x22: {  	[simem:s7], [sflag:s8] =	dma.local @!p0 [hbm:s6], $0xF7A  }
0x23: {  	s9 =	sor.u32 $0xD0000000, s2;
	s6 =	simm.s32 $0x108;
	_ =	swait.ge @!p0 [sflag:s8], $0x0  }
0x24: {  	s3 =	sadd.s32 $0x88, s3;
	s6 =	simm.s32 @!p1 $0x1082;
	[sflag:s4] =	ssyncset.s32 $0xFFFFF086  }
0x25: {  	[simem:s6], [sflag:s4] =	dma.local [hbm:s3], $0xF7A  }
0x26: {  	[smem:$0x3F9F] =	sst s1;
	(tag) =	ssettag s2;
	_ =	strace s9  }
0x27: {  	s1 =	sld [smem:$0x3FAF]  }
0x28: {  	s2 =	sld [smem:$0x3FB0]  }
0x29: {  	s4 =	sld [smem:$0x3FB2]  }
0x2a: {  	p0 =	seq.s32 s5, $0x0;
	s5 =	sld [smem:$0x3FB3]  }
0x2b: {  	s6 =	sld [smem:$0x3FB4]  }
0x2c: {  	s7 =	sld [smem:$0x3FB5]  }
0x2d: {  	s3 =	simm.s32 $0x108;
	s8 =	sld [smem:$0x3FB6]  }
0x2e: {  	s3 =	simm.s32 @!p0 $0x1082;
	s9 =	sld [smem:$0x3FB7]  }
0x2f: {  	lr =	sadd.s32 s0, s3;
	s0 =	sld [smem:$0x3FAE]  }
0x30: {  	s3 =	sld [smem:$0x3FB1]  }
0x31: {  	[smem:$0x3FBA] =	sst s10  }
0x32: {  	s10 =	sld [smem:$0x3FB8];
	_ =	sdelay $0x3  }
0x33: {  	p0 =	seq.s32 s10, $0x1;
	s10 =	sld [smem:$0x3FBA];
	_ =	sdelay $0x3  }
0x34: {  	[smem:$0x3FBA] =	sst s10  }
0x35: {  	s10 =	sld [smem:$0x3FB9];
	_ =	sdelay $0x3  }
0x36: {  	p1 =	seq.s32 s10, $0x1;
	s10 =	sld [smem:$0x3FBA];
	_ =	sdelay $0x3  }
0x37: {  	[smem:$0x3FBA] =	sst s10  }
0x38: {  	s10 =	sld [smem:$0x3FBB]  }
0x39: {  	_ = 	snop;
	(pc) =	sbr.ind lr, $3  }
0x3a: {  	_ = 	snop  }
0x3b: {  	_ = 	snop  }
0x3c: {  	p2 =	seq.s32 s10, $0x1;
	s10 =	sld [smem:$0x3FBA]  }
0x3d: {  	_ =	shalt  }
0x3e: {  	_ =	shalt  }
0x3f: {  	_ =	shalt  }
0x40: {  	_ =	shalt  }
0x41: {  	_ =	shalt  }
0x42: {  	_ =	shalt  }
0x43: {  	_ =	shalt  }
0x44: {  	_ =	shalt  }
0x45: {  	_ =	shalt  }
0x46: {  	_ =	shalt  }
0x47: {  	_ =	shalt  }
0x48: {  	_ =	shalt  }
0x49: {  	_ =	shalt  }
0x4a: {  	_ =	shalt  }
0x4b: {  	_ =	shalt  }
0x4c: {  	_ =	shalt  }
0x4d: {  	_ =	shalt  }
0x4e: {  	_ =	shalt  }
0x4f: {  	_ =	shalt  }
0x50: {  	_ =	shalt  }
0x51: {  	_ =	shalt  }
0x52: {  	_ =	shalt  }
0x53: {  	_ =	shalt  }
0x54: {  	_ =	shalt  }
0x55: {  	_ =	shalt  }
0x56: {  	_ =	shalt  }
0x57: {  	_ =	shalt  }
0x58: {  	_ =	shalt  }
0x59: {  	_ =	shalt  }
0x5a: {  	_ =	shalt  }
0x5b: {  	_ =	shalt  }
0x5c: {  	_ =	shalt  }
0x5d: {  	_ =	shalt  }
0x5e: {  	_ =	shalt  }
0x5f: {  	_ =	shalt  }
0x60: {  	_ =	shalt  }
0x61: {  	_ =	shalt  }
0x62: {  	_ =	shalt  }
0x63: {  	_ =	shalt  }
0x64: {  	_ =	shalt  }
0x65: {  	_ =	shalt  }
0x66: {  	_ =	shalt  }
0x67: {  	_ =	shalt  }
0x68: {  	_ =	shalt  }
0x69: {  	_ =	shalt  }
0x6a: {  	_ =	shalt  }
0x6b: {  	_ =	shalt  }
0x6c: {  	_ =	shalt  }
0x6d: {  	_ =	shalt  }
0x6e: {  	_ =	shalt  }
0x6f: {  	_ =	shalt  }
0x70: {  	_ =	shalt  }
0x71: {  	_ =	shalt  }
0x72: {  	_ =	shalt  }
0x73: {  	_ =	shalt  }
0x74: {  	_ =	shalt  }
0x75: {  	_ =	shalt  }
0x76: {  	_ =	shalt  }
0x77: {  	_ =	shalt  }
0x78: {  	_ =	shalt  }
0x79: {  	_ =	shalt  }
0x7a: {  	_ =	shalt  }
0x7b: {  	_ =	shalt  }
0x7c: {  	_ =	shalt  }
0x7d: {  	_ =	shalt  }
0x7e: {  	_ =	shalt  }
0x7f: {  	_ =	shalt  }
0x80: {  	_ =	shalt  }
0x81: {  	_ =	shalt  }
0x82: {  	_ =	shalt  }
0x83: {  	_ =	shalt  }
0x84: {  	_ =	shalt  }
0x85: {  	_ =	shalt  }
0x86: {  	_ =	shalt  }
0x87: {  	_ =	shalt  }
.Lfunc_end0:
.L_simem_size_0:
called_computation_lowered:
.L_overlay_start_0:
0x88: {  	s2 =	sld [smem:$0x3FD9]  }
0x89: {  	s3 =	sld [smem:$0x3FFE];
	_ =	sdelay $0x1  }
0x8a: {  	s1 =	srdreg.scid  }
0x8b: {  	s0 =	sand.u32 $0x1, s1  }
0x8c: {  	s17 =	sshll.u32 s0, $0xA;
	s2 =	sadd.s32 s3, s2  }
0x8d: {  	s2 =	sadd.s32 s2, s17  }
0x8e: {  	[smem:$0x3FC6] =	sst s2  }
0x8f: {  	_ = 	snop  }
0x90: {  	s2 =	sld [smem:$0x3FC9]  }
0x91: {  	s18 =	sld [smem:$0x3FD0];
	(tm) =	ssettm $0x1  }
0x92: {  	s4 =	sld [smem:$0x3FFB];
	_ =	sdelay $0x3  }
0x93: {  	_ =	strace s4  }
0x94: {  	s4 =	sld [smem:$0x3FFC];
	_ =	sdelay $0x3  }
0x95: {  	_ =	strace s4  }
0x96: {  	s4 =	sld [smem:$0x3FFD];
	_ =	sdelay $0x3  }
0x97: {  	_ =	strace s4  }
0x98: {  	_ =	strace $0x8FFFFFFF  }
0x99: {  	s19 =	sld [smem:$0x3FDB];
	_ =	sdelay $0x1  }
0x9a: {  	s5 =	simm.s32 $_scs_section_size  }
0x9b: {  	s6 =	simm.s32 $_size__tile_overlayer_lowered;
	s7 =	simm.s32 $_tile_overlayer_lowered  }
0x9c: {  	s22 =	simm.s32 $0x1BFF;
	s21 =	sshll.u32 s7, $0x1;
	s4 =	sadd.s32 s5, s19  }
0x9d: {  	s8 =	simm.s32 $0x0;
	s20 =	sshll.u32 s6, $0x1;
	s6 =	sadd.s32 s21, s4  }
0x9e: {  	[timem:s8], [sflag:s22] =	dma.local [hbm:s6], s20  }
0x9f: {  	_ =	swait.ge [sflag:s22], s20  }
0xa0: {  	s5 =	ssub.s32 $0x0, s20;
	[sflag:s22] =	ssyncset.done $0x0  }
0xa1: {  	[sflag:s22] =	ssyncadd.s32 s5;
	_ =	sdelay $0x1  }
0xa2: {  	s23 =	simm.s32 $0x1B8B  }
0xa3: {  	_ =	swait.ge [sflag:s23], $0x1  }
0xa4: {  	[sflag:s23] =	ssyncset.done $0x0  }
0xa5: {  	s25 =	simm.s32 $0x1B8E;
	s24 =	sld [smem:$0x3FFE];
	[sflag:s23] =	ssyncadd.s32 $0xFFFFFFFF  }
0xa6: {  	s26 =	simm.s32 $execute0_lowered;
	[smem:$0x3FD2] =	sst s25  }
0xa7: {  	s6 =	sshll.u32 s26, $0x1;
	_ =	strace $0x80000046;
	[dreg:$0x1] =	wrdreg $0xFFFFFFFF  }
0xa8: {  	s28 =	simm.s32 $_size_execute0_lowered;
	s4 =	sadd.s32 s4, s6;
	[dreg:$0x0] =	wrdreg $0x0  }
0xa9: {  	s6 =	sshll.u32 s28, $0x1;
	[dreg:$0x2] =	wrdreg s4  }
0xaa: {  	[dreg:$0x3] =	wrdreg s6  }
0xab: {  	[dreg:$0x4] =	wrdreg $0xC0  }
0xac: {  	_ =	task [dreg:s8], $0x5FFFF  }
0xad: {  	[dreg:$0x1] =	wrdreg $0xFFFFFFFF  }
0xae: {  	[dreg:$0x0] =	wrdreg $0x60  }
0xaf: {  	[dreg:$0x2] =	wrdreg s18  }
0xb0: {  	[dreg:$0x3] =	wrdreg s2  }
0xb1: {  	[dreg:$0x4] =	wrdreg s24  }
0xb2: {  	[dreg:$0x5] =	wrdreg $0x9  }
0xb3: {  	_ =	task.clear_ibuf [dreg:s8], $0x6FFFF;
	_ =	strace $0x90000046  }
0xb4: {  	s29 =	simm.s32 $0x9;
	_ =	strace $0x80000048  }
0xb5: {  	_ =	swait.ge [sflag:s29], $0x1  }
0xb6: {  	[sflag:s29] =	ssyncadd.s32 $0xFFFFFFFF  }
0xb7: {  	_ =	strace $0x90000048  }
0xb8: {  	_ =	sfence  }
0xb9: {  	s30 =	sld [smem:$0x0];
	_ =	sdelay $0x2  }
0xba: {  	s31 =	sshll.u32 s1, $0xD;
	s1 =	sshrl.u32 s1, $0x2  }
0xbb: {  	s3 =	sand.u32 $0x4000, s31;
	s1 =	sadd.s32 s1, s30  }
0xbc: {  	s0 =	sor.u32 s3, s0;
	s1 =	sshll.u32 s1, $0x11  }
0xbd: {  	s0 =	sor.u32 s1, s0  }
0xbe: {  	s0 =	sadd.s32 $0x8F2B, s0  }
0xbf: {  	[sflag:s0] =	ssyncadd.remote.s32 $0x1  }
0xc0: {  	_ =	sfence.sel $0xFFFF  }
0xc1: {  	[dreg:$0x0] =	wrdreg $0xFFFFFFFF;
	(pc) =	sbr.abs _section_cstart, $3  }
0xc2: {  	[dreg:$0x1] =	wrdreg $0xFFFFFFFF  }
0xc3: {  	_ =	task.clear_ibuf [dreg:s8], $0x2FFFF;
	_ =	strace $0x9FFFFFFF  }
0xc4: {  	(tm) =	ssettm $0x7FFFFFFF  }
0xc5: {  	_ =	shalt  }
tec
execute0_lowered:
.L_overlay_start_1:
0x0: {  	(tag) =	ssettag $0x1  }
0x1: {  	s1 =	rddreg [dreg:$0x0]  }
0x2: {  	s0 =	rddreg [dreg:$0x1]  }
0x3: {  	s2 =	rddreg [dreg:$0x2];
	s4 =	srdreg.scid;
	s3 =	simm.s32 $0x0  }
0x4: {  	s22 =	stileid.u32;
	s24 =	simm.s32 $0x200;
	s28 =	simm.s32 $0x8200  }
0x5: {  	s29 =	simm.s32 $0x1;
	s30 =	simm.s32 $0x10200;
	s23 =	simm.s32 $0x3  }
0x6: {  	s4 =	sand.u32 $0x1, s4;
	[smem:$0x7FF] =	sst s3;
	s5 =	sshll.u32 s22, $0xA  }
0x7: {  	s2 =	sadd.s32 $0x400, s2;
	s8 =	sadd.s32 $0x400, s1;
	s9 =	sadd.s32 $0x500, s1  }
0x8: {  	s10 =	sadd.s32 $0x600, s1;
	s11 =	sadd.s32 $0x700, s1;
	s12 =	sadd.s32 $0x800, s1  }
0x9: {  	s13 =	sadd.s32 $0x900, s1;
	s14 =	sadd.s32 $0xA00, s1;
	s15 =	sadd.s32 $0xB00, s1  }
0xa: {  	s16 =	sadd.s32 $0xC00, s1;
	s17 =	sadd.s32 $0xD00, s1;
	s18 =	sadd.s32 $0xE00, s1  }
0xb: {  	s19 =	sadd.s32 $0xF00, s1;
	s26 =	sshll.u32 s22, $0x13;
	s22 =	simm.s32 $0x4  }
0xc: {  	s6 =	sshll.u32 s4, $0x9;
	_ =	strace $0x80000047;
	s7 =	ssub.s32 $0x2, s4  }
0xd: {  	s4 =	sshll.u32 s4, $0x12;
	s20 =	sor.u32 s6, s5;
	s25 =	sshrl.u32 s7, $0x1  }
0xe: {  	s5 =	sadd.s32 $0x100, s1;
	s6 =	sshrl.u32 s20, $0x3;
	s21 =	ssub.s32 s7, s25  }
0xf: {  	s7 =	sadd.s32 $0x300, s1;
	s20 =	sshll.u32 s20, $0x9;
	s25 =	simm.s32 $0x5  }
.Ltmp0:
0x10: {  	s0 =	sadd.s32 s0, s6;
	s6 =	sadd.s32 $0x200, s1;
	(pc) =	sbr.rel .LBB2_1-.Ltmp0, $4  }
0x11: {  	s21 =	smax.u32 s21, $0x1;
	[dreg:$0x4] =	wrdreg s0;
	s0 =	sadd.s32 s26, s2  }
0x12: {  	v0 =	vlaneseq.u32;
	s31 =	sadd.s32 s20, s2;
	[dreg:$0x5] =	wrdreg s21;
	s0 =	sadd.s32 s4, s0  }
0x13: {  	v1 =	vshrl.u32 v0, $0x3;
	s21 =	simm.s32 $0x2;
	[dreg:$0x6] =	wrdreg s0;
	s0 =	sadd.s32 $0x2000, s31  }
0x14: {  	vm0 =	vmmov $0xffff;
	v0 =	vand.u32 $0x7, v0;
	v1 =	vmul.u32 $0x8, v1;
	s26 =	simm.s32 $0x6;
	s2 =	simm.s32 $0x0;
	[dreg:$0x7] =	wrdreg s0  }
.LBB2_11:
0x15: {  	_ =	swait.ge [sflag:s25], $0x8000  }
0x16: {  	[sflag:s25] =	ssyncset.done $0x0  }
0x17: {  	[sflag:s25] =	ssyncadd.s32 $0xFFFF8000  }
0x18: {  	_ =	swait.ge [sflag:s26], $0x8000  }
0x19: {  	[sflag:s26] =	ssyncset.done $0x0  }
0x1a: {  	[sflag:s26] =	ssyncadd.s32 $0xFFFF8000  }
0x1b: {  	_ =	swait.ge [sflag:s22], $0x8000  }
0x1c: {  	s2 =	rddreg [dreg:$0x8]  }
0x1d: {  	s0 =	rddreg [dreg:$0x5];
	s2 =	sadd.s32 $0x1, s2  }
0x1e: {  	p0 =	sne.s32 s2, s0  }
.Ltmp1:
0x1f: {  	_ = 	snop;
	(pc) =	sbr.rel @!p0 .LBB2_12-.Ltmp1, $3  }
0x20: {  	_ =	sdelay $0x1  }
0x21: {  	[sflag:s22] =	ssyncset.done $0x0  }
0x22: {  	[sflag:s22] =	ssyncadd.s32 $0xFFFF8000  }
.LBB2_1:
0x23: {  	[dreg:$0x8] =	wrdreg s2  }
0x24: {  	s0 =	rddreg [dreg:$0x4];
	s20 =	simm.s32 $0x7  }
0x25: {  	[tilespmem:s3], [sflag:$0x7] =	stream.linear.gather [hbm4b:s0+s3], $0x200, $0x38;
	[tilespmem:$0x18200] =	vst v63  }
0x26: {  	_ =	swait.ge [sflag:s20], $0x200  }
0x27: {  	[sflag:s20] =	ssyncset.done $0x0  }
0x28: {  	[sflag:s20] =	ssyncadd.s32 $0xFFFFFE00  }
0x29: {  	v2 =	vld.msk [tilespmem:$0x0], $0xff;
	_ =	sdelay $0x4  }
0x2a: {  	v3 =	vshll.u32 v2, $0x5  }
0x2b: {  	v2 =	vand.u32 $0x7, v2;
	v3 =	vand.u32 $0xFFFFFF00, v3  }
0x2c: {  	v2 =	vor.u32 v2, v3  }
0x2d: {  	v2 =	vperm.xlane v2, v0;
	_ =	sdelay $0x1  }
0x2e: {  	v2 =	vadd.s32 v1, v2;
	_ =	sdelay $0x4  }
0x2f: {  	[tilespmem:s24], [sflag:$0x1] =	stream.indirect_vreg.gather [hbm4b:s1+s3], $0x80, v2, vm0, $0xb8;
	[tilespmem:$0x18200] =	vst v63  }
0x30: {  	s2 =	simm.s32 $0xA00  }
0x31: {  	[tilespmem:s2], [sflag:$0x1] =	stream.indirect_vreg.gather [hbm4b:s5+s3], $0x80, v2, vm0, $0xb8;
	[tilespmem:$0x18200] =	vst v63  }
0x32: {  	s4 =	simm.s32 $0x1200  }
0x33: {  	[tilespmem:s4], [sflag:$0x1] =	stream.indirect_vreg.gather [hbm4b:s6+s3], $0x80, v2, vm0, $0xb8;
	[tilespmem:$0x18200] =	vst v63  }
0x34: {  	s20 =	simm.s32 $0x1A00  }
0x35: {  	[tilespmem:s20], [sflag:$0x1] =	stream.indirect_vreg.gather [hbm4b:s7+s3], $0x80, v2, vm0, $0xb8;
	[tilespmem:$0x18200] =	vst v63  }
0x36: {  	s2 =	simm.s32 $0x2200  }
0x37: {  	[tilespmem:s2], [sflag:$0x1] =	stream.indirect_vreg.gather [hbm4b:s8+s3], $0x80, v2, vm0, $0xb8;
	[tilespmem:$0x18200] =	vst v63  }
0x38: {  	s4 =	simm.s32 $0x2A00  }
0x39: {  	[tilespmem:s4], [sflag:$0x1] =	stream.indirect_vreg.gather [hbm4b:s9+s3], $0x80, v2, vm0, $0xb8;
	[tilespmem:$0x18200] =	vst v63  }
0x3a: {  	s20 =	simm.s32 $0x3200  }
0x3b: {  	[tilespmem:s20], [sflag:$0x1] =	stream.indirect_vreg.gather [hbm4b:s10+s3], $0x80, v2, vm0, $0xb8;
	[tilespmem:$0x18200] =	vst v63  }
0x3c: {  	s2 =	simm.s32 $0x3A00  }
0x3d: {  	[tilespmem:s2], [sflag:$0x1] =	stream.indirect_vreg.gather [hbm4b:s11+s3], $0x80, v2, vm0, $0xb8;
	[tilespmem:$0x18200] =	vst v63  }
0x3e: {  	s4 =	simm.s32 $0x4200  }
0x3f: {  	[tilespmem:s4], [sflag:$0x1] =	stream.indirect_vreg.gather [hbm4b:s12+s3], $0x80, v2, vm0, $0xb8;
	[tilespmem:$0x18200] =	vst v63  }
0x40: {  	s20 =	simm.s32 $0x4A00  }
0x41: {  	[tilespmem:s20], [sflag:$0x1] =	stream.indirect_vreg.gather [hbm4b:s13+s3], $0x80, v2, vm0, $0xb8;
	[tilespmem:$0x18200] =	vst v63  }
0x42: {  	s2 =	simm.s32 $0x5200  }
0x43: {  	[tilespmem:s2], [sflag:$0x1] =	stream.indirect_vreg.gather [hbm4b:s14+s3], $0x80, v2, vm0, $0xb8;
	[tilespmem:$0x18200] =	vst v63  }
0x44: {  	s4 =	simm.s32 $0x5A00  }
0x45: {  	[tilespmem:s4], [sflag:$0x1] =	stream.indirect_vreg.gather [hbm4b:s15+s3], $0x80, v2, vm0, $0xb8;
	[tilespmem:$0x18200] =	vst v63  }
0x46: {  	s20 =	simm.s32 $0x6200  }
0x47: {  	[tilespmem:s20], [sflag:$0x1] =	stream.indirect_vreg.gather [hbm4b:s16+s3], $0x80, v2, vm0, $0xb8;
	[tilespmem:$0x18200] =	vst v63  }
0x48: {  	s2 =	simm.s32 $0x6A00  }
0x49: {  	[tilespmem:s2], [sflag:$0x1] =	stream.indirect_vreg.gather [hbm4b:s17+s3], $0x80, v2, vm0, $0xb8;
	[tilespmem:$0x18200] =	vst v63  }
0x4a: {  	s31 =	simm.s32 $0x10;
	s0 =	rddreg [dreg:$0x7];
	s4 =	simm.s32 $0x7200  }
0x4b: {  	[tilespmem:s4], [sflag:$0x1] =	stream.indirect_vreg.gather [hbm4b:s18+s3], $0x80, v2, vm0, $0xb8;
	[tilespmem:$0x18200] =	vst v63  }
0x4c: {  	s20 =	simm.s32 $0x7A00;
	s2 =	rddreg [dreg:$0x6];
	s4 =	simm.s32 $0x0  }
0x4d: {  	[tilespmem:s20], [sflag:$0x1] =	stream.indirect_vreg.gather [hbm4b:s19+s3], $0x80, v2, vm0, $0xb8;
	[tilespmem:$0x18200] =	vst v63  }
.LBB2_2:
0x4e: {  	p0 =	seq.s32 s4, $0x0  }
.Ltmp2:
0x4f: {  	_ = 	snop;
	(pc) =	sbr.rel @p0 .LBB2_5-.Ltmp2, $1  }
0x50: {  	_ =	sdelay $0x3  }
0x51: {  	p1 =	seq.s32 s4, $0x15  }
.Ltmp3:
0x52: {  	_ = 	snop;
	(pc) =	sbr.rel @p1 .LBB2_6-.Ltmp3, $1  }
0x53: {  	_ =	sdelay $0x3  }
0x54: {  	_ =	swait.ge [sflag:s25], $0x8000  }
0x55: {  	[sflag:s25] =	ssyncset.done $0x0  }
0x56: {  	[sflag:s25] =	ssyncadd.s32 $0xFFFF8000  }
.LBB2_5:
0x57: {  	v2 =	vld.msk [tilespmem:s31+$0xFFFFFFF8], $0xff;
	_ =	sdelay $0x4  }
0x58: {  	v3 =	vshll.u32 v2, $0x5  }
0x59: {  	v2 =	vand.u32 $0x7, v2;
	v3 =	vand.u32 $0xFFFFFF00, v3  }
0x5a: {  	v2 =	vor.u32 v2, v3  }
0x5b: {  	v2 =	vperm.xlane v2, v0;
	_ =	sdelay $0x1  }
0x5c: {  	v2 =	vadd.s32 v1, v2;
	_ =	sdelay $0x4  }
0x5d: {  	[tilespmem:s28], [sflag:$0x2] =	stream.indirect_vreg.gather [hbm4b:s1+s3], $0x80, v2, vm0, $0xb8;
	[tilespmem:$0x18200] =	vst v63  }
0x5e: {  	s20 =	simm.s32 $0x8A00  }
0x5f: {  	[tilespmem:s20], [sflag:$0x2] =	stream.indirect_vreg.gather [hbm4b:s5+s3], $0x80, v2, vm0, $0xb8;
	[tilespmem:$0x18200] =	vst v63  }
0x60: {  	s20 =	simm.s32 $0x9200  }
0x61: {  	[tilespmem:s20], [sflag:$0x2] =	stream.indirect_vreg.gather [hbm4b:s6+s3], $0x80, v2, vm0, $0xb8;
	[tilespmem:$0x18200] =	vst v63  }
0x62: {  	s20 =	simm.s32 $0x9A00  }
0x63: {  	[tilespmem:s20], [sflag:$0x2] =	stream.indirect_vreg.gather [hbm4b:s7+s3], $0x80, v2, vm0, $0xb8;
	[tilespmem:$0x18200] =	vst v63  }
0x64: {  	s20 =	simm.s32 $0xA200  }
0x65: {  	[tilespmem:s20], [sflag:$0x2] =	stream.indirect_vreg.gather [hbm4b:s8+s3], $0x80, v2, vm0, $0xb8;
	[tilespmem:$0x18200] =	vst v63  }
0x66: {  	s20 =	simm.s32 $0xAA00  }
0x67: {  	[tilespmem:s20], [sflag:$0x2] =	stream.indirect_vreg.gather [hbm4b:s9+s3], $0x80, v2, vm0, $0xb8;
	[tilespmem:$0x18200] =	vst v63  }
0x68: {  	s20 =	simm.s32 $0xB200  }
0x69: {  	[tilespmem:s20], [sflag:$0x2] =	stream.indirect_vreg.gather [hbm4b:s10+s3], $0x80, v2, vm0, $0xb8;
	[tilespmem:$0x18200] =	vst v63  }
0x6a: {  	s20 =	simm.s32 $0xBA00  }
0x6b: {  	[tilespmem:s20], [sflag:$0x2] =	stream.indirect_vreg.gather [hbm4b:s11+s3], $0x80, v2, vm0, $0xb8;
	[tilespmem:$0x18200] =	vst v63  }
0x6c: {  	s20 =	simm.s32 $0xC200  }
0x6d: {  	[tilespmem:s20], [sflag:$0x2] =	stream.indirect_vreg.gather [hbm4b:s12+s3], $0x80, v2, vm0, $0xb8;
	[tilespmem:$0x18200] =	vst v63  }
0x6e: {  	s20 =	simm.s32 $0xCA00  }
0x6f: {  	[tilespmem:s20], [sflag:$0x2] =	stream.indirect_vreg.gather [hbm4b:s13+s3], $0x80, v2, vm0, $0xb8;
	[tilespmem:$0x18200] =	vst v63  }
0x70: {  	s20 =	simm.s32 $0xD200  }
0x71: {  	[tilespmem:s20], [sflag:$0x2] =	stream.indirect_vreg.gather [hbm4b:s14+s3], $0x80, v2, vm0, $0xb8;
	[tilespmem:$0x18200] =	vst v63  }
0x72: {  	s20 =	simm.s32 $0xDA00  }
0x73: {  	[tilespmem:s20], [sflag:$0x2] =	stream.indirect_vreg.gather [hbm4b:s15+s3], $0x80, v2, vm0, $0xb8;
	[tilespmem:$0x18200] =	vst v63  }
0x74: {  	s20 =	simm.s32 $0xE200  }
0x75: {  	[tilespmem:s20], [sflag:$0x2] =	stream.indirect_vreg.gather [hbm4b:s16+s3], $0x80, v2, vm0, $0xb8;
	[tilespmem:$0x18200] =	vst v63  }
0x76: {  	s20 =	simm.s32 $0xEA00  }
0x77: {  	[tilespmem:s20], [sflag:$0x2] =	stream.indirect_vreg.gather [hbm4b:s17+s3], $0x80, v2, vm0, $0xb8;
	[tilespmem:$0x18200] =	vst v63  }
0x78: {  	s20 =	simm.s32 $0xF200  }
0x79: {  	[tilespmem:s20], [sflag:$0x2] =	stream.indirect_vreg.gather [hbm4b:s18+s3], $0x80, v2, vm0, $0xb8;
	[tilespmem:$0x18200] =	vst v63  }
0x7a: {  	s20 =	simm.s32 $0xFA00  }
0x7b: {  	[tilespmem:s20], [sflag:$0x2] =	stream.indirect_vreg.gather [hbm4b:s19+s3], $0x80, v2, vm0, $0xb8;
	[tilespmem:$0x18200] =	vst v63  }
.LBB2_6:
.Ltmp4:
0x7c: {  	(pc) =	sbr.rel @p0 .LBB2_9-.Ltmp4, $4  }
0x7d: {  	_ =	swait.ge [sflag:s29], $0x8000  }
0x7e: {  	[sflag:s29] =	ssyncset.done $0x0  }
0x7f: {  	[sflag:s29] =	ssyncadd.s32 $0xFFFF8000  }
0x80: {  	[hbm4b:s2+s3] =	stream.linear.scatter [tilespmem:s24], [sflag:$0x4], $0x8000, $0x38;
	[tilespmem:$0x18200] =	vst v63  }
0x81: {  	p0 =	seq.s32 s4, $0x15  }
.Ltmp5:
0x82: {  	_ = 	snop;
	(pc) =	sbr.rel @p0 .LBB2_11-.Ltmp5, $1  }
0x83: {  	_ =	sdelay $0x3  }
0x84: {  	_ =	swait.ge [sflag:s26], $0x8000  }
0x85: {  	[sflag:s26] =	ssyncset.done $0x0  }
0x86: {  	[sflag:s26] =	ssyncadd.s32 $0xFFFF8000  }
.LBB2_9:
0x87: {  	v2 =	vld.msk [tilespmem:s31+$0x0], $0xff;
	_ =	sdelay $0x4  }
0x88: {  	v3 =	vshll.u32 v2, $0x5  }
0x89: {  	v2 =	vand.u32 $0x7, v2;
	v3 =	vand.u32 $0xFFFFFF00, v3  }
0x8a: {  	v2 =	vor.u32 v2, v3  }
0x8b: {  	v2 =	vperm.xlane v2, v0;
	_ =	sdelay $0x1  }
0x8c: {  	v2 =	vadd.s32 v1, v2;
	_ =	sdelay $0x4  }
0x8d: {  	[tilespmem:s30], [sflag:$0x3] =	stream.indirect_vreg.gather [hbm4b:s1+s3], $0x80, v2, vm0, $0xb8;
	[tilespmem:$0x18200] =	vst v63  }
0x8e: {  	s20 =	simm.s32 $0x10A00  }
0x8f: {  	[tilespmem:s20], [sflag:$0x3] =	stream.indirect_vreg.gather [hbm4b:s5+s3], $0x80, v2, vm0, $0xb8;
	[tilespmem:$0x18200] =	vst v63  }
0x90: {  	s20 =	simm.s32 $0x11200  }
0x91: {  	[tilespmem:s20], [sflag:$0x3] =	stream.indirect_vreg.gather [hbm4b:s6+s3], $0x80, v2, vm0, $0xb8;
	[tilespmem:$0x18200] =	vst v63  }
0x92: {  	s20 =	simm.s32 $0x11A00  }
0x93: {  	[tilespmem:s20], [sflag:$0x3] =	stream.indirect_vreg.gather [hbm4b:s7+s3], $0x80, v2, vm0, $0xb8;
	[tilespmem:$0x18200] =	vst v63  }
0x94: {  	s20 =	simm.s32 $0x12200  }
0x95: {  	[tilespmem:s20], [sflag:$0x3] =	stream.indirect_vreg.gather [hbm4b:s8+s3], $0x80, v2, vm0, $0xb8;
	[tilespmem:$0x18200] =	vst v63  }
0x96: {  	s20 =	simm.s32 $0x12A00  }
0x97: {  	[tilespmem:s20], [sflag:$0x3] =	stream.indirect_vreg.gather [hbm4b:s9+s3], $0x80, v2, vm0, $0xb8;
	[tilespmem:$0x18200] =	vst v63  }
0x98: {  	s20 =	simm.s32 $0x13200  }
0x99: {  	[tilespmem:s20], [sflag:$0x3] =	stream.indirect_vreg.gather [hbm4b:s10+s3], $0x80, v2, vm0, $0xb8;
	[tilespmem:$0x18200] =	vst v63  }
0x9a: {  	s20 =	simm.s32 $0x13A00  }
0x9b: {  	[tilespmem:s20], [sflag:$0x3] =	stream.indirect_vreg.gather [hbm4b:s11+s3], $0x80, v2, vm0, $0xb8;
	[tilespmem:$0x18200] =	vst v63  }
0x9c: {  	s20 =	simm.s32 $0x14200  }
0x9d: {  	[tilespmem:s20], [sflag:$0x3] =	stream.indirect_vreg.gather [hbm4b:s12+s3], $0x80, v2, vm0, $0xb8;
	[tilespmem:$0x18200] =	vst v63  }
0x9e: {  	s20 =	simm.s32 $0x14A00  }
0x9f: {  	[tilespmem:s20], [sflag:$0x3] =	stream.indirect_vreg.gather [hbm4b:s13+s3], $0x80, v2, vm0, $0xb8;
	[tilespmem:$0x18200] =	vst v63  }
0xa0: {  	s20 =	simm.s32 $0x15200  }
0xa1: {  	[tilespmem:s20], [sflag:$0x3] =	stream.indirect_vreg.gather [hbm4b:s14+s3], $0x80, v2, vm0, $0xb8;
	[tilespmem:$0x18200] =	vst v63  }
0xa2: {  	s20 =	simm.s32 $0x15A00  }
0xa3: {  	[tilespmem:s20], [sflag:$0x3] =	stream.indirect_vreg.gather [hbm4b:s15+s3], $0x80, v2, vm0, $0xb8;
	[tilespmem:$0x18200] =	vst v63  }
0xa4: {  	s20 =	simm.s32 $0x16200  }
0xa5: {  	[tilespmem:s20], [sflag:$0x3] =	stream.indirect_vreg.gather [hbm4b:s16+s3], $0x80, v2, vm0, $0xb8;
	[tilespmem:$0x18200] =	vst v63  }
0xa6: {  	s20 =	simm.s32 $0x16A00  }
0xa7: {  	[tilespmem:s20], [sflag:$0x3] =	stream.indirect_vreg.gather [hbm4b:s17+s3], $0x80, v2, vm0, $0xb8;
	[tilespmem:$0x18200] =	vst v63  }
0xa8: {  	s20 =	simm.s32 $0x17200  }
0xa9: {  	[tilespmem:s20], [sflag:$0x3] =	stream.indirect_vreg.gather [hbm4b:s18+s3], $0x80, v2, vm0, $0xb8;
	[tilespmem:$0x18200] =	vst v63  }
0xaa: {  	p0 =	seq.s32 s4, $0x15;
	s20 =	simm.s32 $0x17A00  }
0xab: {  	[tilespmem:s20], [sflag:$0x3] =	stream.indirect_vreg.gather [hbm4b:s19+s3], $0x80, v2, vm0, $0xb8;
	[tilespmem:$0x18200] =	vst v63  }
.Ltmp6:
0xac: {  	_ = 	snop;
	(pc) =	sbr.rel @p0 .LBB2_11-.Ltmp6, $4  }
0xad: {  	_ =	swait.ge [sflag:s21], $0x8000  }
0xae: {  	[sflag:s21] =	ssyncset.done $0x0  }
0xaf: {  	s20 =	sadd.s32 $0xFFFFF000, s0;
	[sflag:s21] =	ssyncadd.s32 $0xFFFF8000  }
0xb0: {  	[hbm4b:s20+s3] =	stream.linear.scatter [tilespmem:s28], [sflag:$0x5], $0x8000, $0x38;
	[tilespmem:$0x18200] =	vst v63  }
0xb1: {  	_ =	swait.ge [sflag:s22], $0x8000  }
0xb2: {  	[sflag:s22] =	ssyncset.done $0x0  }
0xb3: {  	[sflag:s22] =	ssyncadd.s32 $0xFFFF8000  }
0xb4: {  	v2 =	vld.msk [tilespmem:s31+$0x8], $0xff;
	_ =	sdelay $0x4  }
0xb5: {  	v3 =	vshll.u32 v2, $0x5  }
0xb6: {  	v2 =	vand.u32 $0x7, v2;
	v3 =	vand.u32 $0xFFFFFF00, v3  }
0xb7: {  	v2 =	vor.u32 v2, v3  }
0xb8: {  	v2 =	vperm.xlane v2, v0;
	_ =	sdelay $0x1  }
0xb9: {  	v2 =	vadd.s32 v1, v2;
	_ =	sdelay $0x4  }
0xba: {  	[tilespmem:s24], [sflag:$0x1] =	stream.indirect_vreg.gather [hbm4b:s1+s3], $0x80, v2, vm0, $0xb8;
	[tilespmem:$0x18200] =	vst v63  }
0xbb: {  	s20 =	simm.s32 $0xA00  }
0xbc: {  	[tilespmem:s20], [sflag:$0x1] =	stream.indirect_vreg.gather [hbm4b:s5+s3], $0x80, v2, vm0, $0xb8;
	[tilespmem:$0x18200] =	vst v63  }
0xbd: {  	s20 =	simm.s32 $0x1200  }
0xbe: {  	[tilespmem:s20], [sflag:$0x1] =	stream.indirect_vreg.gather [hbm4b:s6+s3], $0x80, v2, vm0, $0xb8;
	[tilespmem:$0x18200] =	vst v63  }
0xbf: {  	s20 =	simm.s32 $0x1A00  }
0xc0: {  	[tilespmem:s20], [sflag:$0x1] =	stream.indirect_vreg.gather [hbm4b:s7+s3], $0x80, v2, vm0, $0xb8;
	[tilespmem:$0x18200] =	vst v63  }
0xc1: {  	s20 =	simm.s32 $0x2200  }
0xc2: {  	[tilespmem:s20], [sflag:$0x1] =	stream.indirect_vreg.gather [hbm4b:s8+s3], $0x80, v2, vm0, $0xb8;
	[tilespmem:$0x18200] =	vst v63  }
0xc3: {  	s20 =	simm.s32 $0x2A00  }
0xc4: {  	[tilespmem:s20], [sflag:$0x1] =	stream.indirect_vreg.gather [hbm4b:s9+s3], $0x80, v2, vm0, $0xb8;
	[tilespmem:$0x18200] =	vst v63  }
0xc5: {  	s20 =	simm.s32 $0x3200  }
0xc6: {  	[tilespmem:s20], [sflag:$0x1] =	stream.indirect_vreg.gather [hbm4b:s10+s3], $0x80, v2, vm0, $0xb8;
	[tilespmem:$0x18200] =	vst v63  }
0xc7: {  	s20 =	simm.s32 $0x3A00  }
0xc8: {  	[tilespmem:s20], [sflag:$0x1] =	stream.indirect_vreg.gather [hbm4b:s11+s3], $0x80, v2, vm0, $0xb8;
	[tilespmem:$0x18200] =	vst v63  }
0xc9: {  	s20 =	simm.s32 $0x4200  }
0xca: {  	[tilespmem:s20], [sflag:$0x1] =	stream.indirect_vreg.gather [hbm4b:s12+s3], $0x80, v2, vm0, $0xb8;
	[tilespmem:$0x18200] =	vst v63  }
0xcb: {  	s20 =	simm.s32 $0x4A00  }
0xcc: {  	[tilespmem:s20], [sflag:$0x1] =	stream.indirect_vreg.gather [hbm4b:s13+s3], $0x80, v2, vm0, $0xb8;
	[tilespmem:$0x18200] =	vst v63  }
0xcd: {  	s20 =	simm.s32 $0x5200  }
0xce: {  	[tilespmem:s20], [sflag:$0x1] =	stream.indirect_vreg.gather [hbm4b:s14+s3], $0x80, v2, vm0, $0xb8;
	[tilespmem:$0x18200] =	vst v63  }
0xcf: {  	s20 =	simm.s32 $0x5A00  }
0xd0: {  	[tilespmem:s20], [sflag:$0x1] =	stream.indirect_vreg.gather [hbm4b:s15+s3], $0x80, v2, vm0, $0xb8;
	[tilespmem:$0x18200] =	vst v63  }
0xd1: {  	s20 =	simm.s32 $0x6200  }
0xd2: {  	[tilespmem:s20], [sflag:$0x1] =	stream.indirect_vreg.gather [hbm4b:s16+s3], $0x80, v2, vm0, $0xb8;
	[tilespmem:$0x18200] =	vst v63  }
0xd3: {  	s20 =	simm.s32 $0x6A00  }
0xd4: {  	[tilespmem:s20], [sflag:$0x1] =	stream.indirect_vreg.gather [hbm4b:s17+s3], $0x80, v2, vm0, $0xb8;
	[tilespmem:$0x18200] =	vst v63  }
0xd5: {  	s20 =	simm.s32 $0x7200  }
0xd6: {  	[tilespmem:s20], [sflag:$0x1] =	stream.indirect_vreg.gather [hbm4b:s18+s3], $0x80, v2, vm0, $0xb8;
	[tilespmem:$0x18200] =	vst v63  }
0xd7: {  	s20 =	simm.s32 $0x7A00  }
0xd8: {  	[tilespmem:s20], [sflag:$0x1] =	stream.indirect_vreg.gather [hbm4b:s19+s3], $0x80, v2, vm0, $0xb8;
	[tilespmem:$0x18200] =	vst v63  }
.Ltmp7:
0xd9: {  	_ =	swait.ge [sflag:s23], $0x8000;
	(pc) =	sbr.rel .LBB2_2-.Ltmp7, $4  }
0xda: {  	[sflag:s23] =	ssyncset.done $0x0  }
0xdb: {  	s4 =	sadd.s32 $0x1, s4;
	[sflag:s23] =	ssyncadd.s32 $0xFFFF8000  }
0xdc: {  	[hbm4b:s0+s3] =	stream.linear.scatter [tilespmem:s30], [sflag:$0x6], $0x8000, $0x38;
	[tilespmem:$0x18200] =	vst v63  }
0xdd: {  	s2 =	sadd.s32 $0x3000, s2;
	s31 =	sadd.s32 $0x18, s31;
	s0 =	sadd.s32 $0x3000, s0  }
.LBB2_12:
0xde: {  	_ =	sfence.sel $0x180000  }
0xdf: {  	[bflag:$0x0] =	sbarrier.arrive $0xFFFF  }
0xe0: {  	_ =	strace $0x90000047  }
0xe1: {  	s0 =	stileid.u32;
	[bflag:$0x2] =	sbarrier.arrive $0xFFFF  }
0xe2: {  	p0 =	sne.s32 s0, $0x0;
	s0 =	rddreg [dreg:$0x3]  }
0xe3: {  	s0 =	sadd.s32 @!p0 $0x100000, s0  }
0xe4: {  	[sflag:s0] =	ssyncadd.tile.s32 @!p0 $0x1;
	_ =	shalt  }
.Lfunc_end2:
_tile_overlayer_lowered:
.L_overlay_start_2:
0xe5: {  	(tag) =	ssettag $0x2  }
0xe6: {  	s0 =	rddreg [dreg:$0x0];
	s2 =	stileid.u32  }
0xe7: {  	s1 =	rddreg [dreg:$0x1];
	p0 =	sne.s32 s2, $0x0  }
0xe8: {  	s3 =	rddreg [dreg:$0x2];
	[bflag:$0x3] =	sbarrier.arrive $0xFFFF;
	s2 =	simm.s32 @!p0 $0x1C07  }
0xe9: {  	[timem:s3], [sflag:s2] =	dma.local @!p0 [hbm:s0], s1  }
0xea: {  	s0 =	simm.s32 @!p0 $0x7  }
0xeb: {  	_ =	swait.ge @!p0 [sflag:s0], s1  }
0xec: {  	s1 =	ssub.s32 @!p0 $0x0, s1;
	[sflag:s0] =	ssyncset.done @!p0 $0x0  }
0xed: {  	[sflag:s0] =	ssyncadd.s32 @!p0 s1  }
0xee: {  	[bflag:$0x3] =	sbarrier.arrive $0xFFFF  }
0xef: {  	_ =	shalt  }

</sc_bundles>
